<compile_context>
chip_gen: v7x
topology: tpu7x:2x2x1
jax: 0.10.2.dev20260603
libtpu: 0.0.44.dev20260713+nightly
codegen_flags: <defaults>
</compile_context>

<pallas_src>
import jax
import jax.numpy as jnp
from jax import lax
from jax.experimental import pallas as pl
from jax.experimental.pallas import tpu as pltpu
from jax.experimental.pallas import tpu_sc as plsc

BATCH, MAXLEN, EMBED = 4, 2048, 1024
NC, NS = 2, 16
NW = NC * NS

T_SC = 256
T_PER_W = T_SC // NW
ROWS_SUB = min(16, T_PER_W)
N_SUB = (T_PER_W // ROWS_SUB) * BATCH

SEQ_BLK = 256
SC_BLKS = T_SC // SEQ_BLK
TC_BLKS = MAXLEN // SEQ_BLK - SC_BLKS


def _sc_body(x_hbm, pos_hbm, out_hbm):
    def scoped(pos_v, xb0, xb1, xb2, psem, si0, si1, si2, so0, so1, so2):
        wid = lax.axis_index("s") * NC + lax.axis_index("c")
        t0 = wid * T_PER_W
        h_pos = pltpu.async_copy(pos_hbm.at[pl.ds(t0, T_PER_W), :], pos_v, psem)

        bufs = (xb0, xb1, xb2)
        isems = (si0, si1, si2)
        osems = (so0, so1, so2)
        n_rc = T_PER_W // ROWS_SUB

        def start_in(step):
            p = step % 3
            b, rc = divmod(step, n_rc)
            return pltpu.async_copy(
                x_hbm.at[b, pl.ds(t0 + rc * ROWS_SUB, ROWS_SUB), :],
                bufs[p], isems[p])

        def start_out(step):
            p = step % 3
            b, rc = divmod(step, n_rc)
            return pltpu.async_copy(
                bufs[p],
                out_hbm.at[b, pl.ds(t0 + rc * ROWS_SUB, ROWS_SUB), :],
                osems[p])

        h_in = [start_in(s) for s in range(min(3, N_SUB))]
        h_out = [None, None, None]
        h_pos.wait()
        for step in range(N_SUB):
            p = step % 3
            nxt = step + 1
            if 3 <= nxt < N_SUB:
                q = nxt % 3
                h_out[q].wait()
                h_in[q] = start_in(nxt)
            h_in[p].wait()
            buf = bufs[p]
            rc = step % n_rc

            @plsc.parallel_loop(0, ROWS_SUB * EMBED, 16, unroll=8)
            def _(i, _buf=buf, _pr0=rc * ROWS_SUB):
                r = i >> 10
                c = pl.multiple_of(i & (EMBED - 1), 16)
                _buf[r, pl.ds(c, 16)] = (
                    _buf[r, pl.ds(c, 16)] + pos_v[_pr0 + r, pl.ds(c, 16)])

            h_out[p] = start_out(step)
        for p in range(min(3, N_SUB)):
            h_out[p].wait()

    pl.run_scoped(
        scoped,
        pltpu.VMEM((T_PER_W, EMBED), jnp.float32),
        pltpu.VMEM((ROWS_SUB, EMBED), jnp.float32),
        pltpu.VMEM((ROWS_SUB, EMBED), jnp.float32),
        pltpu.VMEM((ROWS_SUB, EMBED), jnp.float32),
        pltpu.SemaphoreType.DMA,
        pltpu.SemaphoreType.DMA,
        pltpu.SemaphoreType.DMA,
        pltpu.SemaphoreType.DMA,
        pltpu.SemaphoreType.DMA,
        pltpu.SemaphoreType.DMA,
        pltpu.SemaphoreType.DMA,
    )


def _tc_inner(x_ref, pos_ref, o_ref):
    o_ref[...] = x_ref[...] + pos_ref[...][None, :, :]


def _sc_head(x, pos_table):
    return pl.kernel(
        _sc_body,
        out_type=jax.ShapeDtypeStruct((BATCH, T_SC, EMBED), jnp.float32),
        mesh=plsc.VectorSubcoreMesh(core_axis_name="c", subcore_axis_name="s"),
    )(x, pos_table)


def _tc_tail_call(x, pos_table):
    return pl.pallas_call(
        _tc_inner,
        grid=(TC_BLKS,),
        in_specs=[
            pl.BlockSpec((BATCH, SEQ_BLK, EMBED), lambda s: (0, s + SC_BLKS, 0)),
            pl.BlockSpec((SEQ_BLK, EMBED), lambda s: (s + SC_BLKS, 0)),
        ],
        out_specs=pl.BlockSpec(
            (BATCH, SEQ_BLK, EMBED), lambda s: (0, s + SC_BLKS, 0)),
        out_shape=jax.ShapeDtypeStruct((BATCH, MAXLEN, EMBED), jnp.float32),
    )(x, pos_table)


def kernel(x, pos_table):
    sc_piece = _sc_head(x, pos_table)
    tc_full = _tc_tail_call(x, pos_table)
    return lax.dynamic_update_slice(tc_full, sc_piece, (0, 0, 0))

# --- scband reference (transcript-rebuilt; emitter-appended) ---
"""Pipeline reference for scband-position-embedding-24026047054378 (READ-ONLY COPY).

The authoritative reference and input builder live on the scoring server;
editing this copy changes nothing except your own understanding.
"""

import jax, jax.numpy as jnp
import numpy as np

MAXLEN = 2048
EMBED_DIM = 1024
BATCH = 4

def setup_inputs(seed: int = 0) -> dict:
    key = jax.random.key(seed)
    k1, k2 = jax.random.split(key)
    x = jax.random.normal(k1, (BATCH, MAXLEN, EMBED_DIM), dtype=jnp.float32)
    # learned position embedding table, sized per init_kwargs (maxlen, embed_dim)
    pos_table = jax.random.normal(k2, (MAXLEN, EMBED_DIM), dtype=jnp.float32) * 0.02
    return {"x": x, "pos_table": pos_table}

def reference(x, pos_table):
    # positions = tf.range(0, maxlen)
    positions = jnp.arange(MAXLEN)
    # positions = self.pos_emb(positions)  -> embedding gather
    pos = jnp.take(pos_table, positions, axis=0)
    # return x + positions (broadcast over batch)
    return x + pos

if __name__ == "__main__":
    import jax
    _d = setup_inputs()
    print(jax.jit(kernel)(*tuple(_d.values())))

</pallas_src>

<mosaic_0001>
#map = affine_map<(d0, d1) -> (0, 0, 0)>
#map1 = affine_map<(d0, d1) -> (0, 0)>
module attributes {stable_mosaic.version = 14 : i64} {
  func.func @_sc_body(%arg0: i32, %arg1: i32, %arg2: memref<4x2048x1024xf32, #tpu.memory_space<hbm>>, %arg3: memref<2048x1024xf32, #tpu.memory_space<hbm>>, %arg4: memref<4x256x1024xf32, #tpu.memory_space<hbm>>) attributes {dimension_semantics = [#tpu.dimension_semantics<core_parallel>, #tpu.dimension_semantics<subcore_parallel>], iteration_bounds = array<i64: 2, 16>, scalar_prefetch = 0 : i64, scratch_operands = 0 : i64, tpu.core_type = #tpu.core_type<sc_vector_subcore>, window_params = [{transform_indices = #map}, {transform_indices = #map1}, {transform_indices = #map}]} {
    "tpu.region"() ({
      %run_scoped3A = memref.alloca() : memref<8x1024xf32, #tpu.memory_space<vmem>>
      %run_scoped3A_0 = memref.alloca() : memref<8x1024xf32, #tpu.memory_space<vmem>>
      %run_scoped3A_1 = memref.alloca() : memref<8x1024xf32, #tpu.memory_space<vmem>>
      %run_scoped3A_2 = memref.alloca() : memref<8x1024xf32, #tpu.memory_space<vmem>>
      %run_scoped3A_3 = tpu.sem_alloc : memref<!tpu.dma_semaphore, #tpu.memory_space<semaphore_mem>>
      %run_scoped3A_4 = tpu.sem_alloc : memref<!tpu.dma_semaphore, #tpu.memory_space<semaphore_mem>>
      %run_scoped3A_5 = tpu.sem_alloc : memref<!tpu.dma_semaphore, #tpu.memory_space<semaphore_mem>>
      %run_scoped3A_6 = tpu.sem_alloc : memref<!tpu.dma_semaphore, #tpu.memory_space<semaphore_mem>>
      %run_scoped3A_7 = tpu.sem_alloc : memref<!tpu.dma_semaphore, #tpu.memory_space<semaphore_mem>>
      %run_scoped3A_8 = tpu.sem_alloc : memref<!tpu.dma_semaphore, #tpu.memory_space<semaphore_mem>>
      %run_scoped3A_9 = tpu.sem_alloc : memref<!tpu.dma_semaphore, #tpu.memory_space<semaphore_mem>>
      %mul3A = arith.constant 2 : i32
      %mul3A_10 = arith.muli %arg1, %mul3A : i32
      %add3A = arith.addi %mul3A_10, %arg0 : i32
      %mul3A_11 = arith.constant 8 : i32
      %mul3A_12 = arith.muli %add3A, %mul3A_11 : i32
      %dma_start3A = arith.constant 0 : i32
      %dma_start3A_13 = tpu.memref_slice %arg3[%mul3A_12, %dma_start3A] : memref<2048x1024xf32, #tpu.memory_space<hbm>> -> memref<8x1024xf32, #tpu.memory_space<hbm>>
      %dma_start3A_14 = arith.constant 0 : i32
      %dma_start3A_15 = tpu.memref_slice %arg3[%mul3A_12, %dma_start3A_14] : memref<2048x1024xf32, #tpu.memory_space<hbm>> -> memref<8x1024xf32, #tpu.memory_space<hbm>>
      tpu.enqueue_dma source(%dma_start3A_15 : memref<8x1024xf32, #tpu.memory_space<hbm>>) target(%run_scoped3A : memref<8x1024xf32, #tpu.memory_space<vmem>>) target_semaphore(%run_scoped3A_3 : memref<!tpu.dma_semaphore, #tpu.memory_space<semaphore_mem>>)
      %add3A_16 = arith.constant 0 : i32
      %add3A_17 = arith.addi %mul3A_12, %add3A_16 : i32
      %dma_start3A_18 = arith.constant 0 : i32
      %dma_start3A_19 = arith.constant 0 : i32
      %dma_start3A_20 = tpu.memref_slice %arg2[%dma_start3A_18, %add3A_17, %dma_start3A_19] : memref<4x2048x1024xf32, #tpu.memory_space<hbm>> -> memref<1x8x1024xf32, #tpu.memory_space<hbm>>
      %dma_start3A_21 = tpu.memref_squeeze %dma_start3A_20 : memref<1x8x1024xf32, #tpu.memory_space<hbm>> -> memref<8x1024xf32, #tpu.memory_space<hbm>>
      %dma_start3A_22 = arith.constant 0 : i32
      %dma_start3A_23 = tpu.memref_slice %arg2[%dma_start3A_18, %add3A_17, %dma_start3A_22] : memref<4x2048x1024xf32, #tpu.memory_space<hbm>> -> memref<1x8x1024xf32, #tpu.memory_space<hbm>>
      %dma_start3A_24 = tpu.memref_squeeze %dma_start3A_23 : memref<1x8x1024xf32, #tpu.memory_space<hbm>> -> memref<8x1024xf32, #tpu.memory_space<hbm>>
      tpu.enqueue_dma source(%dma_start3A_24 : memref<8x1024xf32, #tpu.memory_space<hbm>>) target(%run_scoped3A_0 : memref<8x1024xf32, #tpu.memory_space<vmem>>) target_semaphore(%run_scoped3A_4 : memref<!tpu.dma_semaphore, #tpu.memory_space<semaphore_mem>>)
      %add3A_25 = arith.constant 0 : i32
      %add3A_26 = arith.addi %mul3A_12, %add3A_25 : i32
      %dma_start3A_27 = arith.constant 1 : i32
      %dma_start3A_28 = arith.constant 0 : i32
      %dma_start3A_29 = tpu.memref_slice %arg2[%dma_start3A_27, %add3A_26, %dma_start3A_28] : memref<4x2048x1024xf32, #tpu.memory_space<hbm>> -> memref<1x8x1024xf32, #tpu.memory_space<hbm>>
      %dma_start3A_30 = tpu.memref_squeeze %dma_start3A_29 : memref<1x8x1024xf32, #tpu.memory_space<hbm>> -> memref<8x1024xf32, #tpu.memory_space<hbm>>
      %dma_start3A_31 = arith.constant 0 : i32
      %dma_start3A_32 = tpu.memref_slice %arg2[%dma_start3A_27, %add3A_26, %dma_start3A_31] : memref<4x2048x1024xf32, #tpu.memory_space<hbm>> -> memref<1x8x1024xf32, #tpu.memory_space<hbm>>
      %dma_start3A_33 = tpu.memref_squeeze %dma_start3A_32 : memref<1x8x1024xf32, #tpu.memory_space<hbm>> -> memref<8x1024xf32, #tpu.memory_space<hbm>>
      tpu.enqueue_dma source(%dma_start3A_33 : memref<8x1024xf32, #tpu.memory_space<hbm>>) target(%run_scoped3A_1 : memref<8x1024xf32, #tpu.memory_space<vmem>>) target_semaphore(%run_scoped3A_5 : memref<!tpu.dma_semaphore, #tpu.memory_space<semaphore_mem>>)
      %add3A_34 = arith.constant 0 : i32
      %add3A_35 = arith.addi %mul3A_12, %add3A_34 : i32
      %dma_start3A_36 = arith.constant 2 : i32
      %dma_start3A_37 = arith.constant 0 : i32
      %dma_start3A_38 = tpu.memref_slice %arg2[%dma_start3A_36, %add3A_35, %dma_start3A_37] : memref<4x2048x1024xf32, #tpu.memory_space<hbm>> -> memref<1x8x1024xf32, #tpu.memory_space<hbm>>
      %dma_start3A_39 = tpu.memref_squeeze %dma_start3A_38 : memref<1x8x1024xf32, #tpu.memory_space<hbm>> -> memref<8x1024xf32, #tpu.memory_space<hbm>>
      %dma_start3A_40 = arith.constant 0 : i32
      %dma_start3A_41 = tpu.memref_slice %arg2[%dma_start3A_36, %add3A_35, %dma_start3A_40] : memref<4x2048x1024xf32, #tpu.memory_space<hbm>> -> memref<1x8x1024xf32, #tpu.memory_space<hbm>>
      %dma_start3A_42 = tpu.memref_squeeze %dma_start3A_41 : memref<1x8x1024xf32, #tpu.memory_space<hbm>> -> memref<8x1024xf32, #tpu.memory_space<hbm>>
      tpu.enqueue_dma source(%dma_start3A_42 : memref<8x1024xf32, #tpu.memory_space<hbm>>) target(%run_scoped3A_2 : memref<8x1024xf32, #tpu.memory_space<vmem>>) target_semaphore(%run_scoped3A_6 : memref<!tpu.dma_semaphore, #tpu.memory_space<semaphore_mem>>)
      %dma_wait3A = arith.constant 0 : i32
      %dma_wait3A_43 = tpu.memref_slice %arg3[%mul3A_12, %dma_wait3A] : memref<2048x1024xf32, #tpu.memory_space<hbm>> -> memref<8x1024xf32, #tpu.memory_space<hbm>>
      %dma_wait3A_44 = arith.constant 0 : i32
      %dma_wait3A_45 = tpu.memref_slice %arg3[%mul3A_12, %dma_wait3A_44] : memref<2048x1024xf32, #tpu.memory_space<hbm>> -> memref<8x1024xf32, #tpu.memory_space<hbm>>
      tpu.wait_dma2 semaphore(%run_scoped3A_3 : memref<!tpu.dma_semaphore, #tpu.memory_space<semaphore_mem>>) src(%dma_wait3A_45 : memref<8x1024xf32, #tpu.memory_space<hbm>>) dst(%run_scoped3A : memref<8x1024xf32, #tpu.memory_space<vmem>>)
      %dma_wait3A_46 = arith.constant 0 : i32
      %dma_wait3A_47 = arith.constant 0 : i32
      %dma_wait3A_48 = tpu.memref_slice %arg2[%dma_wait3A_46, %add3A_17, %dma_wait3A_47] : memref<4x2048x1024xf32, #tpu.memory_space<hbm>> -> memref<1x8x1024xf32, #tpu.memory_space<hbm>>
      %dma_wait3A_49 = tpu.memref_squeeze %dma_wait3A_48 : memref<1x8x1024xf32, #tpu.memory_space<hbm>> -> memref<8x1024xf32, #tpu.memory_space<hbm>>
      %dma_wait3A_50 = arith.constant 0 : i32
      %dma_wait3A_51 = tpu.memref_slice %arg2[%dma_wait3A_46, %add3A_17, %dma_wait3A_50] : memref<4x2048x1024xf32, #tpu.memory_space<hbm>> -> memref<1x8x1024xf32, #tpu.memory_space<hbm>>
      %dma_wait3A_52 = tpu.memref_squeeze %dma_wait3A_51 : memref<1x8x1024xf32, #tpu.memory_space<hbm>> -> memref<8x1024xf32, #tpu.memory_space<hbm>>
      tpu.wait_dma2 semaphore(%run_scoped3A_4 : memref<!tpu.dma_semaphore, #tpu.memory_space<semaphore_mem>>) src(%dma_wait3A_52 : memref<8x1024xf32, #tpu.memory_space<hbm>>) dst(%run_scoped3A_0 : memref<8x1024xf32, #tpu.memory_space<vmem>>)
      %parallel_loop3A = arith.constant 0 : i32
      %parallel_loop3A_53 = arith.constant 8192 : i32
      %parallel_loop3A_54 = arith.constant 16 : i32
      scf.for %parallel_loop3A_158 = %parallel_loop3A to %parallel_loop3A_53 step %parallel_loop3A_54  : i32 {
        %parallel_loop3A_159 = arith.constant 10 : i32
        %parallel_loop3A_160 = arith.shrsi %parallel_loop3A_158, %parallel_loop3A_159 : i32
        %parallel_loop3A_161 = arith.constant 1023 : i32
        %parallel_loop3A_162 = arith.andi %parallel_loop3A_158, %parallel_loop3A_161 : i32
        %parallel_loop3A_163 = tpu.assume_multiple %parallel_loop3A_162, 16 : i32
        %parallel_loop3A_164 = arith.index_cast %parallel_loop3A_160 : i32 to index
        %parallel_loop3A_165 = arith.index_cast %parallel_loop3A_163 : i32 to index
        %parallel_loop3A_166 = tpu.vector_load %run_scoped3A_0[%parallel_loop3A_164, %parallel_loop3A_165] {strides = array<i32>} : memref<8x1024xf32, #tpu.memory_space<vmem>>, vector<1x16xf32>,
        %parallel_loop3A_167 = vector.shape_cast %parallel_loop3A_166 : vector<1x16xf32> to vector<16xf32>
        %parallel_loop3A_168 = arith.constant 0 : i32
        %parallel_loop3A_169 = arith.addi %parallel_loop3A_168, %parallel_loop3A_160 : i32
        %parallel_loop3A_170 = arith.index_cast %parallel_loop3A_169 : i32 to index
        %parallel_loop3A_171 = arith.index_cast %parallel_loop3A_163 : i32 to index
        %parallel_loop3A_172 = tpu.vector_load %run_scoped3A[%parallel_loop3A_170, %parallel_loop3A_171] {strides = array<i32>} : memref<8x1024xf32, #tpu.memory_space<vmem>>, vector<1x16xf32>,
        %parallel_loop3A_173 = vector.shape_cast %parallel_loop3A_172 : vector<1x16xf32> to vector<16xf32>
        %parallel_loop3A_174 = arith.addf %parallel_loop3A_167, %parallel_loop3A_173 : vector<16xf32>
        %parallel_loop3A_175 = arith.index_cast %parallel_loop3A_160 : i32 to index
        %parallel_loop3A_176 = arith.index_cast %parallel_loop3A_163 : i32 to index
        %parallel_loop3A_177 = tpu.vector_load %run_scoped3A_0[%parallel_loop3A_175, %parallel_loop3A_176] {strides = array<i32>} : memref<8x1024xf32, #tpu.memory_space<vmem>>, vector<1x16xf32>,
        %parallel_loop3A_178 = vector.shape_cast %parallel_loop3A_177 : vector<1x16xf32> to vector<16xf32>
        %parallel_loop3A_179 = vector.shape_cast %parallel_loop3A_174 : vector<16xf32> to vector<1x16xf32>
        tpu.vector_store %run_scoped3A_0[%parallel_loop3A_175, %parallel_loop3A_176], %parallel_loop3A_179 {strides = array<i32>} : memref<8x1024xf32, #tpu.memory_space<vmem>>, vector<1x16xf32>,
      } {sc.loop_unroll_factor = 8 : i64, sc.parallel_access}
      %add3A_55 = arith.constant 0 : i32
      %add3A_56 = arith.addi %mul3A_12, %add3A_55 : i32
      %dma_start3A_57 = arith.constant 0 : i32
      %dma_start3A_58 = arith.constant 0 : i32
      %dma_start3A_59 = tpu.memref_slice %arg4[%dma_start3A_57, %add3A_56, %dma_start3A_58] : memref<4x256x1024xf32, #tpu.memory_space<hbm>> -> memref<1x8x1024xf32, #tpu.memory_space<hbm>>
      %dma_start3A_60 = tpu.memref_squeeze %dma_start3A_59 : memref<1x8x1024xf32, #tpu.memory_space<hbm>> -> memref<8x1024xf32, #tpu.memory_space<hbm>>
      %dma_start3A_61 = arith.constant 0 : i32
      %dma_start3A_62 = tpu.memref_slice %arg4[%dma_start3A_57, %add3A_56, %dma_start3A_61] : memref<4x256x1024xf32, #tpu.memory_space<hbm>> -> memref<1x8x1024xf32, #tpu.memory_space<hbm>>
      %dma_start3A_63 = tpu.memref_squeeze %dma_start3A_62 : memref<1x8x1024xf32, #tpu.memory_space<hbm>> -> memref<8x1024xf32, #tpu.memory_space<hbm>>
      tpu.enqueue_dma source(%run_scoped3A_0 : memref<8x1024xf32, #tpu.memory_space<vmem>>) target(%dma_start3A_63 : memref<8x1024xf32, #tpu.memory_space<hbm>>) target_semaphore(%run_scoped3A_7 : memref<!tpu.dma_semaphore, #tpu.memory_space<semaphore_mem>>)
      %dma_wait3A_64 = arith.constant 1 : i32
      %dma_wait3A_65 = arith.constant 0 : i32
      %dma_wait3A_66 = tpu.memref_slice %arg2[%dma_wait3A_64, %add3A_26, %dma_wait3A_65] : memref<4x2048x1024xf32, #tpu.memory_space<hbm>> -> memref<1x8x1024xf32, #tpu.memory_space<hbm>>
      %dma_wait3A_67 = tpu.memref_squeeze %dma_wait3A_66 : memref<1x8x1024xf32, #tpu.memory_space<hbm>> -> memref<8x1024xf32, #tpu.memory_space<hbm>>
      %dma_wait3A_68 = arith.constant 0 : i32
      %dma_wait3A_69 = tpu.memref_slice %arg2[%dma_wait3A_64, %add3A_26, %dma_wait3A_68] : memref<4x2048x1024xf32, #tpu.memory_space<hbm>> -> memref<1x8x1024xf32, #tpu.memory_space<hbm>>
      %dma_wait3A_70 = tpu.memref_squeeze %dma_wait3A_69 : memref<1x8x1024xf32, #tpu.memory_space<hbm>> -> memref<8x1024xf32, #tpu.memory_space<hbm>>
      tpu.wait_dma2 semaphore(%run_scoped3A_5 : memref<!tpu.dma_semaphore, #tpu.memory_space<semaphore_mem>>) src(%dma_wait3A_70 : memref<8x1024xf32, #tpu.memory_space<hbm>>) dst(%run_scoped3A_1 : memref<8x1024xf32, #tpu.memory_space<vmem>>)
      %parallel_loop3A_71 = arith.constant 0 : i32
      %parallel_loop3A_72 = arith.constant 8192 : i32
      %parallel_loop3A_73 = arith.constant 16 : i32
      scf.for %parallel_loop3A_158 = %parallel_loop3A_71 to %parallel_loop3A_72 step %parallel_loop3A_73  : i32 {
        %parallel_loop3A_159 = arith.constant 10 : i32
        %parallel_loop3A_160 = arith.shrsi %parallel_loop3A_158, %parallel_loop3A_159 : i32
        %parallel_loop3A_161 = arith.constant 1023 : i32
        %parallel_loop3A_162 = arith.andi %parallel_loop3A_158, %parallel_loop3A_161 : i32
        %parallel_loop3A_163 = tpu.assume_multiple %parallel_loop3A_162, 16 : i32
        %parallel_loop3A_164 = arith.index_cast %parallel_loop3A_160 : i32 to index
        %parallel_loop3A_165 = arith.index_cast %parallel_loop3A_163 : i32 to index
        %parallel_loop3A_166 = tpu.vector_load %run_scoped3A_1[%parallel_loop3A_164, %parallel_loop3A_165] {strides = array<i32>} : memref<8x1024xf32, #tpu.memory_space<vmem>>, vector<1x16xf32>,
        %parallel_loop3A_167 = vector.shape_cast %parallel_loop3A_166 : vector<1x16xf32> to vector<16xf32>
        %parallel_loop3A_168 = arith.constant 0 : i32
        %parallel_loop3A_169 = arith.addi %parallel_loop3A_168, %parallel_loop3A_160 : i32
        %parallel_loop3A_170 = arith.index_cast %parallel_loop3A_169 : i32 to index
        %parallel_loop3A_171 = arith.index_cast %parallel_loop3A_163 : i32 to index
        %parallel_loop3A_172 = tpu.vector_load %run_scoped3A[%parallel_loop3A_170, %parallel_loop3A_171] {strides = array<i32>} : memref<8x1024xf32, #tpu.memory_space<vmem>>, vector<1x16xf32>,
        %parallel_loop3A_173 = vector.shape_cast %parallel_loop3A_172 : vector<1x16xf32> to vector<16xf32>
        %parallel_loop3A_174 = arith.addf %parallel_loop3A_167, %parallel_loop3A_173 : vector<16xf32>
        %parallel_loop3A_175 = arith.index_cast %parallel_loop3A_160 : i32 to index
        %parallel_loop3A_176 = arith.index_cast %parallel_loop3A_163 : i32 to index
        %parallel_loop3A_177 = tpu.vector_load %run_scoped3A_1[%parallel_loop3A_175, %parallel_loop3A_176] {strides = array<i32>} : memref<8x1024xf32, #tpu.memory_space<vmem>>, vector<1x16xf32>,
        %parallel_loop3A_178 = vector.shape_cast %parallel_loop3A_177 : vector<1x16xf32> to vector<16xf32>
        %parallel_loop3A_179 = vector.shape_cast %parallel_loop3A_174 : vector<16xf32> to vector<1x16xf32>
        tpu.vector_store %run_scoped3A_1[%parallel_loop3A_175, %parallel_loop3A_176], %parallel_loop3A_179 {strides = array<i32>} : memref<8x1024xf32, #tpu.memory_space<vmem>>, vector<1x16xf32>,
      } {sc.loop_unroll_factor = 8 : i64, sc.parallel_access}
      %add3A_74 = arith.constant 0 : i32
      %add3A_75 = arith.addi %mul3A_12, %add3A_74 : i32
      %dma_start3A_76 = arith.constant 1 : i32
      %dma_start3A_77 = arith.constant 0 : i32
      %dma_start3A_78 = tpu.memref_slice %arg4[%dma_start3A_76, %add3A_75, %dma_start3A_77] : memref<4x256x1024xf32, #tpu.memory_space<hbm>> -> memref<1x8x1024xf32, #tpu.memory_space<hbm>>
      %dma_start3A_79 = tpu.memref_squeeze %dma_start3A_78 : memref<1x8x1024xf32, #tpu.memory_space<hbm>> -> memref<8x1024xf32, #tpu.memory_space<hbm>>
      %dma_start3A_80 = arith.constant 0 : i32
      %dma_start3A_81 = tpu.memref_slice %arg4[%dma_start3A_76, %add3A_75, %dma_start3A_80] : memref<4x256x1024xf32, #tpu.memory_space<hbm>> -> memref<1x8x1024xf32, #tpu.memory_space<hbm>>
      %dma_start3A_82 = tpu.memref_squeeze %dma_start3A_81 : memref<1x8x1024xf32, #tpu.memory_space<hbm>> -> memref<8x1024xf32, #tpu.memory_space<hbm>>
      tpu.enqueue_dma source(%run_scoped3A_1 : memref<8x1024xf32, #tpu.memory_space<vmem>>) target(%dma_start3A_82 : memref<8x1024xf32, #tpu.memory_space<hbm>>) target_semaphore(%run_scoped3A_8 : memref<!tpu.dma_semaphore, #tpu.memory_space<semaphore_mem>>)
      %dma_wait3A_83 = arith.constant 0 : i32
      %dma_wait3A_84 = arith.constant 0 : i32
      %dma_wait3A_85 = tpu.memref_slice %arg4[%dma_wait3A_83, %add3A_56, %dma_wait3A_84] : memref<4x256x1024xf32, #tpu.memory_space<hbm>> -> memref<1x8x1024xf32, #tpu.memory_space<hbm>>
      %dma_wait3A_86 = tpu.memref_squeeze %dma_wait3A_85 : memref<1x8x1024xf32, #tpu.memory_space<hbm>> -> memref<8x1024xf32, #tpu.memory_space<hbm>>
      %dma_wait3A_87 = arith.constant 0 : i32
      %dma_wait3A_88 = tpu.memref_slice %arg4[%dma_wait3A_83, %add3A_56, %dma_wait3A_87] : memref<4x256x1024xf32, #tpu.memory_space<hbm>> -> memref<1x8x1024xf32, #tpu.memory_space<hbm>>
      %dma_wait3A_89 = tpu.memref_squeeze %dma_wait3A_88 : memref<1x8x1024xf32, #tpu.memory_space<hbm>> -> memref<8x1024xf32, #tpu.memory_space<hbm>>
      tpu.wait_dma2 semaphore(%run_scoped3A_7 : memref<!tpu.dma_semaphore, #tpu.memory_space<semaphore_mem>>) src(%run_scoped3A_0 : memref<8x1024xf32, #tpu.memory_space<vmem>>) dst(%dma_wait3A_89 : memref<8x1024xf32, #tpu.memory_space<hbm>>)
      %add3A_90 = arith.constant 0 : i32
      %add3A_91 = arith.addi %mul3A_12, %add3A_90 : i32
      %dma_start3A_92 = arith.constant 3 : i32
      %dma_start3A_93 = arith.constant 0 : i32
      %dma_start3A_94 = tpu.memref_slice %arg2[%dma_start3A_92, %add3A_91, %dma_start3A_93] : memref<4x2048x1024xf32, #tpu.memory_space<hbm>> -> memref<1x8x1024xf32, #tpu.memory_space<hbm>>
      %dma_start3A_95 = tpu.memref_squeeze %dma_start3A_94 : memref<1x8x1024xf32, #tpu.memory_space<hbm>> -> memref<8x1024xf32, #tpu.memory_space<hbm>>
      %dma_start3A_96 = arith.constant 0 : i32
      %dma_start3A_97 = tpu.memref_slice %arg2[%dma_start3A_92, %add3A_91, %dma_start3A_96] : memref<4x2048x1024xf32, #tpu.memory_space<hbm>> -> memref<1x8x1024xf32, #tpu.memory_space<hbm>>
      %dma_start3A_98 = tpu.memref_squeeze %dma_start3A_97 : memref<1x8x1024xf32, #tpu.memory_space<hbm>> -> memref<8x1024xf32, #tpu.memory_space<hbm>>
      tpu.enqueue_dma source(%dma_start3A_98 : memref<8x1024xf32, #tpu.memory_space<hbm>>) target(%run_scoped3A_0 : memref<8x1024xf32, #tpu.memory_space<vmem>>) target_semaphore(%run_scoped3A_4 : memref<!tpu.dma_semaphore, #tpu.memory_space<semaphore_mem>>)
      %dma_wait3A_99 = arith.constant 2 : i32
      %dma_wait3A_100 = arith.constant 0 : i32
      %dma_wait3A_101 = tpu.memref_slice %arg2[%dma_wait3A_99, %add3A_35, %dma_wait3A_100] : memref<4x2048x1024xf32, #tpu.memory_space<hbm>> -> memref<1x8x1024xf32, #tpu.memory_space<hbm>>
      %dma_wait3A_102 = tpu.memref_squeeze %dma_wait3A_101 : memref<1x8x1024xf32, #tpu.memory_space<hbm>> -> memref<8x1024xf32, #tpu.memory_space<hbm>>
      %dma_wait3A_103 = arith.constant 0 : i32
      %dma_wait3A_104 = tpu.memref_slice %arg2[%dma_wait3A_99, %add3A_35, %dma_wait3A_103] : memref<4x2048x1024xf32, #tpu.memory_space<hbm>> -> memref<1x8x1024xf32, #tpu.memory_space<hbm>>
      %dma_wait3A_105 = tpu.memref_squeeze %dma_wait3A_104 : memref<1x8x1024xf32, #tpu.memory_space<hbm>> -> memref<8x1024xf32, #tpu.memory_space<hbm>>
      tpu.wait_dma2 semaphore(%run_scoped3A_6 : memref<!tpu.dma_semaphore, #tpu.memory_space<semaphore_mem>>) src(%dma_wait3A_105 : memref<8x1024xf32, #tpu.memory_space<hbm>>) dst(%run_scoped3A_2 : memref<8x1024xf32, #tpu.memory_space<vmem>>)
      %parallel_loop3A_106 = arith.constant 0 : i32
      %parallel_loop3A_107 = arith.constant 8192 : i32
      %parallel_loop3A_108 = arith.constant 16 : i32
      scf.for %parallel_loop3A_158 = %parallel_loop3A_106 to %parallel_loop3A_107 step %parallel_loop3A_108  : i32 {
        %parallel_loop3A_159 = arith.constant 10 : i32
        %parallel_loop3A_160 = arith.shrsi %parallel_loop3A_158, %parallel_loop3A_159 : i32
        %parallel_loop3A_161 = arith.constant 1023 : i32
        %parallel_loop3A_162 = arith.andi %parallel_loop3A_158, %parallel_loop3A_161 : i32
        %parallel_loop3A_163 = tpu.assume_multiple %parallel_loop3A_162, 16 : i32
        %parallel_loop3A_164 = arith.index_cast %parallel_loop3A_160 : i32 to index
        %parallel_loop3A_165 = arith.index_cast %parallel_loop3A_163 : i32 to index
        %parallel_loop3A_166 = tpu.vector_load %run_scoped3A_2[%parallel_loop3A_164, %parallel_loop3A_165] {strides = array<i32>} : memref<8x1024xf32, #tpu.memory_space<vmem>>, vector<1x16xf32>,
        %parallel_loop3A_167 = vector.shape_cast %parallel_loop3A_166 : vector<1x16xf32> to vector<16xf32>
        %parallel_loop3A_168 = arith.constant 0 : i32
        %parallel_loop3A_169 = arith.addi %parallel_loop3A_168, %parallel_loop3A_160 : i32
        %parallel_loop3A_170 = arith.index_cast %parallel_loop3A_169 : i32 to index
        %parallel_loop3A_171 = arith.index_cast %parallel_loop3A_163 : i32 to index
        %parallel_loop3A_172 = tpu.vector_load %run_scoped3A[%parallel_loop3A_170, %parallel_loop3A_171] {strides = array<i32>} : memref<8x1024xf32, #tpu.memory_space<vmem>>, vector<1x16xf32>,
        %parallel_loop3A_173 = vector.shape_cast %parallel_loop3A_172 : vector<1x16xf32> to vector<16xf32>
        %parallel_loop3A_174 = arith.addf %parallel_loop3A_167, %parallel_loop3A_173 : vector<16xf32>
        %parallel_loop3A_175 = arith.index_cast %parallel_loop3A_160 : i32 to index
        %parallel_loop3A_176 = arith.index_cast %parallel_loop3A_163 : i32 to index
        %parallel_loop3A_177 = tpu.vector_load %run_scoped3A_2[%parallel_loop3A_175, %parallel_loop3A_176] {strides = array<i32>} : memref<8x1024xf32, #tpu.memory_space<vmem>>, vector<1x16xf32>,
        %parallel_loop3A_178 = vector.shape_cast %parallel_loop3A_177 : vector<1x16xf32> to vector<16xf32>
        %parallel_loop3A_179 = vector.shape_cast %parallel_loop3A_174 : vector<16xf32> to vector<1x16xf32>
        tpu.vector_store %run_scoped3A_2[%parallel_loop3A_175, %parallel_loop3A_176], %parallel_loop3A_179 {strides = array<i32>} : memref<8x1024xf32, #tpu.memory_space<vmem>>, vector<1x16xf32>,
      } {sc.loop_unroll_factor = 8 : i64, sc.parallel_access}
      %add3A_109 = arith.constant 0 : i32
      %add3A_110 = arith.addi %mul3A_12, %add3A_109 : i32
      %dma_start3A_111 = arith.constant 2 : i32
      %dma_start3A_112 = arith.constant 0 : i32
      %dma_start3A_113 = tpu.memref_slice %arg4[%dma_start3A_111, %add3A_110, %dma_start3A_112] : memref<4x256x1024xf32, #tpu.memory_space<hbm>> -> memref<1x8x1024xf32, #tpu.memory_space<hbm>>
      %dma_start3A_114 = tpu.memref_squeeze %dma_start3A_113 : memref<1x8x1024xf32, #tpu.memory_space<hbm>> -> memref<8x1024xf32, #tpu.memory_space<hbm>>
      %dma_start3A_115 = arith.constant 0 : i32
      %dma_start3A_116 = tpu.memref_slice %arg4[%dma_start3A_111, %add3A_110, %dma_start3A_115] : memref<4x256x1024xf32, #tpu.memory_space<hbm>> -> memref<1x8x1024xf32, #tpu.memory_space<hbm>>
      %dma_start3A_117 = tpu.memref_squeeze %dma_start3A_116 : memref<1x8x1024xf32, #tpu.memory_space<hbm>> -> memref<8x1024xf32, #tpu.memory_space<hbm>>
      tpu.enqueue_dma source(%run_scoped3A_2 : memref<8x1024xf32, #tpu.memory_space<vmem>>) target(%dma_start3A_117 : memref<8x1024xf32, #tpu.memory_space<hbm>>) target_semaphore(%run_scoped3A_9 : memref<!tpu.dma_semaphore, #tpu.memory_space<semaphore_mem>>)
      %dma_wait3A_118 = arith.constant 3 : i32
      %dma_wait3A_119 = arith.constant 0 : i32
      %dma_wait3A_120 = tpu.memref_slice %arg2[%dma_wait3A_118, %add3A_91, %dma_wait3A_119] : memref<4x2048x1024xf32, #tpu.memory_space<hbm>> -> memref<1x8x1024xf32, #tpu.memory_space<hbm>>
      %dma_wait3A_121 = tpu.memref_squeeze %dma_wait3A_120 : memref<1x8x1024xf32, #tpu.memory_space<hbm>> -> memref<8x1024xf32, #tpu.memory_space<hbm>>
      %dma_wait3A_122 = arith.constant 0 : i32
      %dma_wait3A_123 = tpu.memref_slice %arg2[%dma_wait3A_118, %add3A_91, %dma_wait3A_122] : memref<4x2048x1024xf32, #tpu.memory_space<hbm>> -> memref<1x8x1024xf32, #tpu.memory_space<hbm>>
      %dma_wait3A_124 = tpu.memref_squeeze %dma_wait3A_123 : memref<1x8x1024xf32, #tpu.memory_space<hbm>> -> memref<8x1024xf32, #tpu.memory_space<hbm>>
      tpu.wait_dma2 semaphore(%run_scoped3A_4 : memref<!tpu.dma_semaphore, #tpu.memory_space<semaphore_mem>>) src(%dma_wait3A_124 : memref<8x1024xf32, #tpu.memory_space<hbm>>) dst(%run_scoped3A_0 : memref<8x1024xf32, #tpu.memory_space<vmem>>)
      %parallel_loop3A_125 = arith.constant 0 : i32
      %parallel_loop3A_126 = arith.constant 8192 : i32
      %parallel_loop3A_127 = arith.constant 16 : i32
      scf.for %parallel_loop3A_158 = %parallel_loop3A_125 to %parallel_loop3A_126 step %parallel_loop3A_127  : i32 {
        %parallel_loop3A_159 = arith.constant 10 : i32
        %parallel_loop3A_160 = arith.shrsi %parallel_loop3A_158, %parallel_loop3A_159 : i32
        %parallel_loop3A_161 = arith.constant 1023 : i32
        %parallel_loop3A_162 = arith.andi %parallel_loop3A_158, %parallel_loop3A_161 : i32
        %parallel_loop3A_163 = tpu.assume_multiple %parallel_loop3A_162, 16 : i32
        %parallel_loop3A_164 = arith.index_cast %parallel_loop3A_160 : i32 to index
        %parallel_loop3A_165 = arith.index_cast %parallel_loop3A_163 : i32 to index
        %parallel_loop3A_166 = tpu.vector_load %run_scoped3A_0[%parallel_loop3A_164, %parallel_loop3A_165] {strides = array<i32>} : memref<8x1024xf32, #tpu.memory_space<vmem>>, vector<1x16xf32>,
        %parallel_loop3A_167 = vector.shape_cast %parallel_loop3A_166 : vector<1x16xf32> to vector<16xf32>
        %parallel_loop3A_168 = arith.constant 0 : i32
        %parallel_loop3A_169 = arith.addi %parallel_loop3A_168, %parallel_loop3A_160 : i32
        %parallel_loop3A_170 = arith.index_cast %parallel_loop3A_169 : i32 to index
        %parallel_loop3A_171 = arith.index_cast %parallel_loop3A_163 : i32 to index
        %parallel_loop3A_172 = tpu.vector_load %run_scoped3A[%parallel_loop3A_170, %parallel_loop3A_171] {strides = array<i32>} : memref<8x1024xf32, #tpu.memory_space<vmem>>, vector<1x16xf32>,
        %parallel_loop3A_173 = vector.shape_cast %parallel_loop3A_172 : vector<1x16xf32> to vector<16xf32>
        %parallel_loop3A_174 = arith.addf %parallel_loop3A_167, %parallel_loop3A_173 : vector<16xf32>
        %parallel_loop3A_175 = arith.index_cast %parallel_loop3A_160 : i32 to index
        %parallel_loop3A_176 = arith.index_cast %parallel_loop3A_163 : i32 to index
        %parallel_loop3A_177 = tpu.vector_load %run_scoped3A_0[%parallel_loop3A_175, %parallel_loop3A_176] {strides = array<i32>} : memref<8x1024xf32, #tpu.memory_space<vmem>>, vector<1x16xf32>,
        %parallel_loop3A_178 = vector.shape_cast %parallel_loop3A_177 : vector<1x16xf32> to vector<16xf32>
        %parallel_loop3A_179 = vector.shape_cast %parallel_loop3A_174 : vector<16xf32> to vector<1x16xf32>
        tpu.vector_store %run_scoped3A_0[%parallel_loop3A_175, %parallel_loop3A_176], %parallel_loop3A_179 {strides = array<i32>} : memref<8x1024xf32, #tpu.memory_space<vmem>>, vector<1x16xf32>,
      } {sc.loop_unroll_factor = 8 : i64, sc.parallel_access}
      %add3A_128 = arith.constant 0 : i32
      %add3A_129 = arith.addi %mul3A_12, %add3A_128 : i32
      %dma_start3A_130 = arith.constant 3 : i32
      %dma_start3A_131 = arith.constant 0 : i32
      %dma_start3A_132 = tpu.memref_slice %arg4[%dma_start3A_130, %add3A_129, %dma_start3A_131] : memref<4x256x1024xf32, #tpu.memory_space<hbm>> -> memref<1x8x1024xf32, #tpu.memory_space<hbm>>
      %dma_start3A_133 = tpu.memref_squeeze %dma_start3A_132 : memref<1x8x1024xf32, #tpu.memory_space<hbm>> -> memref<8x1024xf32, #tpu.memory_space<hbm>>
      %dma_start3A_134 = arith.constant 0 : i32
      %dma_start3A_135 = tpu.memref_slice %arg4[%dma_start3A_130, %add3A_129, %dma_start3A_134] : memref<4x256x1024xf32, #tpu.memory_space<hbm>> -> memref<1x8x1024xf32, #tpu.memory_space<hbm>>
      %dma_start3A_136 = tpu.memref_squeeze %dma_start3A_135 : memref<1x8x1024xf32, #tpu.memory_space<hbm>> -> memref<8x1024xf32, #tpu.memory_space<hbm>>
      tpu.enqueue_dma source(%run_scoped3A_0 : memref<8x1024xf32, #tpu.memory_space<vmem>>) target(%dma_start3A_136 : memref<8x1024xf32, #tpu.memory_space<hbm>>) target_semaphore(%run_scoped3A_7 : memref<!tpu.dma_semaphore, #tpu.memory_space<semaphore_mem>>)
      %dma_wait3A_137 = arith.constant 3 : i32
      %dma_wait3A_138 = arith.constant 0 : i32
      %dma_wait3A_139 = tpu.memref_slice %arg4[%dma_wait3A_137, %add3A_129, %dma_wait3A_138] : memref<4x256x1024xf32, #tpu.memory_space<hbm>> -> memref<1x8x1024xf32, #tpu.memory_space<hbm>>
      %dma_wait3A_140 = tpu.memref_squeeze %dma_wait3A_139 : memref<1x8x1024xf32, #tpu.memory_space<hbm>> -> memref<8x1024xf32, #tpu.memory_space<hbm>>
      %dma_wait3A_141 = arith.constant 0 : i32
      %dma_wait3A_142 = tpu.memref_slice %arg4[%dma_wait3A_137, %add3A_129, %dma_wait3A_141] : memref<4x256x1024xf32, #tpu.memory_space<hbm>> -> memref<1x8x1024xf32, #tpu.memory_space<hbm>>
      %dma_wait3A_143 = tpu.memref_squeeze %dma_wait3A_142 : memref<1x8x1024xf32, #tpu.memory_space<hbm>> -> memref<8x1024xf32, #tpu.memory_space<hbm>>
      tpu.wait_dma2 semaphore(%run_scoped3A_7 : memref<!tpu.dma_semaphore, #tpu.memory_space<semaphore_mem>>) src(%run_scoped3A_0 : memref<8x1024xf32, #tpu.memory_space<vmem>>) dst(%dma_wait3A_143 : memref<8x1024xf32, #tpu.memory_space<hbm>>)
      %dma_wait3A_144 = arith.constant 1 : i32
      %dma_wait3A_145 = arith.constant 0 : i32
      %dma_wait3A_146 = tpu.memref_slice %arg4[%dma_wait3A_144, %add3A_75, %dma_wait3A_145] : memref<4x256x1024xf32, #tpu.memory_space<hbm>> -> memref<1x8x1024xf32, #tpu.memory_space<hbm>>
      %dma_wait3A_147 = tpu.memref_squeeze %dma_wait3A_146 : memref<1x8x1024xf32, #tpu.memory_space<hbm>> -> memref<8x1024xf32, #tpu.memory_space<hbm>>
      %dma_wait3A_148 = arith.constant 0 : i32
      %dma_wait3A_149 = tpu.memref_slice %arg4[%dma_wait3A_144, %add3A_75, %dma_wait3A_148] : memref<4x256x1024xf32, #tpu.memory_space<hbm>> -> memref<1x8x1024xf32, #tpu.memory_space<hbm>>
      %dma_wait3A_150 = tpu.memref_squeeze %dma_wait3A_149 : memref<1x8x1024xf32, #tpu.memory_space<hbm>> -> memref<8x1024xf32, #tpu.memory_space<hbm>>
      tpu.wait_dma2 semaphore(%run_scoped3A_8 : memref<!tpu.dma_semaphore, #tpu.memory_space<semaphore_mem>>) src(%run_scoped3A_1 : memref<8x1024xf32, #tpu.memory_space<vmem>>) dst(%dma_wait3A_150 : memref<8x1024xf32, #tpu.memory_space<hbm>>)
      %dma_wait3A_151 = arith.constant 2 : i32
      %dma_wait3A_152 = arith.constant 0 : i32
      %dma_wait3A_153 = tpu.memref_slice %arg4[%dma_wait3A_151, %add3A_110, %dma_wait3A_152] : memref<4x256x1024xf32, #tpu.memory_space<hbm>> -> memref<1x8x1024xf32, #tpu.memory_space<hbm>>
      %dma_wait3A_154 = tpu.memref_squeeze %dma_wait3A_153 : memref<1x8x1024xf32, #tpu.memory_space<hbm>> -> memref<8x1024xf32, #tpu.memory_space<hbm>>
      %dma_wait3A_155 = arith.constant 0 : i32
      %dma_wait3A_156 = tpu.memref_slice %arg4[%dma_wait3A_151, %add3A_110, %dma_wait3A_155] : memref<4x256x1024xf32, #tpu.memory_space<hbm>> -> memref<1x8x1024xf32, #tpu.memory_space<hbm>>
      %dma_wait3A_157 = tpu.memref_squeeze %dma_wait3A_156 : memref<1x8x1024xf32, #tpu.memory_space<hbm>> -> memref<8x1024xf32, #tpu.memory_space<hbm>>
      tpu.wait_dma2 semaphore(%run_scoped3A_9 : memref<!tpu.dma_semaphore, #tpu.memory_space<semaphore_mem>>) src(%run_scoped3A_2 : memref<8x1024xf32, #tpu.memory_space<vmem>>) dst(%dma_wait3A_157 : memref<8x1024xf32, #tpu.memory_space<hbm>>)
      tpu.yield
    }) : () -> ()
    return
  }
}

module attributes {stable_mosaic.version = 14 : i64} {
  func.func @_tc_inner(%arg0: i32, %arg1: memref<4x256x1024xf32, #tpu.memory_space<vmem>>, %arg2: memref<256x1024xf32, #tpu.memory_space<vmem>>, %arg3: memref<4x256x1024xf32, #tpu.memory_space<vmem>>) attributes {dimension_semantics = [#tpu.dimension_semantics<arbitrary>], iteration_bounds = array<i64: 7>, scalar_prefetch = 0 : i64, scratch_operands = 0 : i64, tpu.core_type = #tpu.core_type<tc>, window_params = [{transform_indices = @transform_0, window_bounds = array<i64: 4, 256, 1024>}, {transform_indices = @transform_1, window_bounds = array<i64: 256, 1024>}, {transform_indices = @transform_2, window_bounds = array<i64: 4, 256, 1024>}]} {
    %get3A = arith.constant 0 : index
    %get3A_0 = arith.constant 0 : index
    %get3A_1 = arith.constant 0 : index
    %get3A_2 = vector.load %arg1[%get3A, %get3A_0, %get3A_1] : memref<4x256x1024xf32, #tpu.memory_space<vmem>>, vector<4x256x1024xf32>
    %get3A_3 = arith.constant 0 : index
    %get3A_4 = arith.constant 0 : index
    %get3A_5 = vector.load %arg2[%get3A_3, %get3A_4] : memref<256x1024xf32, #tpu.memory_space<vmem>>, vector<256x1024xf32>
    %broadcast_in_dim3A = vector.shape_cast %get3A_5 : vector<256x1024xf32> to vector<1x256x1024xf32>
    %add3A = vector.broadcast %broadcast_in_dim3A : vector<1x256x1024xf32> to vector<4x256x1024xf32>
    %add3A_6 = arith.addf %get3A_2, %add3A : vector<4x256x1024xf32>
    %swap3A = arith.constant 0 : index
    %swap3A_7 = arith.constant 0 : index
    %swap3A_8 = arith.constant 0 : index
    %swap3A_9 = vector.load %arg3[%swap3A, %swap3A_7, %swap3A_8] : memref<4x256x1024xf32, #tpu.memory_space<vmem>>, vector<4x256x1024xf32>
    tpu.vector_store %arg3[%swap3A, %swap3A_7, %swap3A_8], %add3A_6 {strides = array<i32>} : memref<4x256x1024xf32, #tpu.memory_space<vmem>>, vector<4x256x1024xf32>,
    return
  }
  func.func @transform_0(%arg0: i32) -> (i32, i32, i32) {
    %add3A = arith.constant 1 : i32
    %add3A_0 = arith.addi %arg0, %add3A : i32
    %c0_i32 = arith.constant 0 : i32
    %c0_i32_1 = arith.constant 0 : i32
    %c0_i32_2 = arith.constant 0 : i32
    return %c0_i32, %add3A_0, %c0_i32_1 : i32, i32, i32
  }
  func.func @transform_1(%arg0: i32) -> (i32, i32) {
    %add3A = arith.constant 1 : i32
    %add3A_0 = arith.addi %arg0, %add3A : i32
    %c0_i32 = arith.constant 0 : i32
    %c0_i32_1 = arith.constant 0 : i32
    return %add3A_0, %c0_i32 : i32, i32
  }
  func.func @transform_2(%arg0: i32) -> (i32, i32, i32) {
    %add3A = arith.constant 1 : i32
    %add3A_0 = arith.addi %arg0, %add3A : i32
    %c0_i32 = arith.constant 0 : i32
    %c0_i32_1 = arith.constant 0 : i32
    %c0_i32_2 = arith.constant 0 : i32
    return %c0_i32, %add3A_0, %c0_i32_1 : i32, i32, i32
  }
}

</mosaic_0001>

<sc_bundles>
// kernel: kernel.4.cloned.1.call-start
scs
__scs_entry_jumppad:
0x0: {  	(pc) =	sbr.rel $0x88, $3  }
0x1: {  	(tag) =	ssettag $0x0;
	lr =	simm.s32 $0x1  }
0x2: {  	[smem:$0x3F9F] =	sst lr;
	_ =	strace $0xD0000000  }
0x3: {  	_ = 	snop  }
0x4: {  	_ = 	snop  }
0x5: {  	_ = 	snop  }
0x6: {  	_ = 	snop  }
0x7: {  	_ = 	snop  }
__scs_overlays_trampoline_lowered:
0x8: {  	[smem:$0x3FAE] =	sst s0  }
0x9: {  	[smem:$0x3FAF] =	sst s1  }
0xa: {  	[smem:$0x3FB0] =	sst s2  }
0xb: {  	[smem:$0x3FB1] =	sst s3  }
0xc: {  	[smem:$0x3FB2] =	sst s4  }
0xd: {  	[smem:$0x3FB3] =	sst s5  }
0xe: {  	[smem:$0x3FB4] =	sst s6  }
0xf: {  	[smem:$0x3FB5] =	sst s7  }
0x10: {  	[smem:$0x3FB6] =	sst s8  }
0x11: {  	[smem:$0x3FB7] =	sst s9;
	s0 =	simm.s32 @!p0 $0x0  }
0x12: {  	s1 =	sld [smem:$0x3F9D];
	s0 =	simm.s32 @p0 $0x1  }
0x13: {  	[smem:$0x3FB8] =	sst s0;
	s0 =	simm.s32 @!p1 $0x0  }
0x14: {  	s2 =	sld [smem:$0x3F9C];
	s0 =	simm.s32 @p1 $0x1  }
0x15: {  	[smem:$0x3FB9] =	sst s0;
	s0 =	simm.s32 @!p2 $0x0  }
0x16: {  	s3 =	sld [smem:$0x3FDB];
	s0 =	simm.s32 @p2 $0x1  }
0x17: {  	s4 =	simm.s32 $0x1BF5;
	[smem:$0x3FBB] =	sst s0  }
0x18: {  	s0 =	sld [smem:$0x3F9E];
	_ =	swait.ge [sflag:s4], $0x0  }
0x19: {  	s7 =	sld [smem:$0x3F9F]  }
0x1a: {  	s8 =	sadd.s32 $0xFFFFE003, lr  }
0x1b: {  	s9 =	sadd.s32 $0xFFFFFEF7, lr;
	s5 =	simm.s32 $0xFFFFFFFF;
	p2 =	slt.u32 s8, $0xFFFFF086  }
0x1c: {  	p1 =	slt.u32 s9, $0xF7A;
	s5 =	simm.s32 @!p2 $0x0  }
0x1d: {  	s5 =	simm.s32 @p1 $0x1;
	p0 =	seq.s32 s7, s2  }
0x1e: {  	s7 =	smul.u32 @!p0 $0xF7A, s2;
	p2 =	seq.s32 @!p0 s5, $0x0  }
0x1f: {  	s9 =	smul.u32 $0xF7A, s1;
	s8 =	simm.s32 @!p0 $0x1BF5;
	p2 =	por !p2, p0  }
0x20: {  	[sflag:s8] =	ssyncset.s32 @!p0 $0xFFFFF086;
	s6 =	sadd.s32 @!p0 s3, s7;
	s7 =	simm.s32 @!p0 $0x108  }
0x21: {  	s3 =	sadd.s32 s3, s9;
	s6 =	sadd.s32 @!p0 $0x88, s6;
	s7 =	simm.s32 @p2 $0x1082  }
0x22: {  	[simem:s7], [sflag:s8] =	dma.local @!p0 [hbm:s6], $0xF7A  }
0x23: {  	s9 =	sor.u32 $0xD0000000, s2;
	s6 =	simm.s32 $0x108;
	_ =	swait.ge @!p0 [sflag:s8], $0x0  }
0x24: {  	s3 =	sadd.s32 $0x88, s3;
	s6 =	simm.s32 @!p1 $0x1082;
	[sflag:s4] =	ssyncset.s32 $0xFFFFF086  }
0x25: {  	[simem:s6], [sflag:s4] =	dma.local [hbm:s3], $0xF7A  }
0x26: {  	[smem:$0x3F9F] =	sst s1;
	(tag) =	ssettag s2;
	_ =	strace s9  }
0x27: {  	s1 =	sld [smem:$0x3FAF]  }
0x28: {  	s2 =	sld [smem:$0x3FB0]  }
0x29: {  	s4 =	sld [smem:$0x3FB2]  }
0x2a: {  	p0 =	seq.s32 s5, $0x0;
	s5 =	sld [smem:$0x3FB3]  }
0x2b: {  	s6 =	sld [smem:$0x3FB4]  }
0x2c: {  	s7 =	sld [smem:$0x3FB5]  }
0x2d: {  	s3 =	simm.s32 $0x108;
	s8 =	sld [smem:$0x3FB6]  }
0x2e: {  	s3 =	simm.s32 @!p0 $0x1082;
	s9 =	sld [smem:$0x3FB7]  }
0x2f: {  	lr =	sadd.s32 s0, s3;
	s0 =	sld [smem:$0x3FAE]  }
0x30: {  	s3 =	sld [smem:$0x3FB1]  }
0x31: {  	[smem:$0x3FBA] =	sst s10  }
0x32: {  	s10 =	sld [smem:$0x3FB8];
	_ =	sdelay $0x3  }
0x33: {  	p0 =	seq.s32 s10, $0x1;
	s10 =	sld [smem:$0x3FBA];
	_ =	sdelay $0x3  }
0x34: {  	[smem:$0x3FBA] =	sst s10  }
0x35: {  	s10 =	sld [smem:$0x3FB9];
	_ =	sdelay $0x3  }
0x36: {  	p1 =	seq.s32 s10, $0x1;
	s10 =	sld [smem:$0x3FBA];
	_ =	sdelay $0x3  }
0x37: {  	[smem:$0x3FBA] =	sst s10  }
0x38: {  	s10 =	sld [smem:$0x3FBB]  }
0x39: {  	_ = 	snop;
	(pc) =	sbr.ind lr, $3  }
0x3a: {  	_ = 	snop  }
0x3b: {  	_ = 	snop  }
0x3c: {  	p2 =	seq.s32 s10, $0x1;
	s10 =	sld [smem:$0x3FBA]  }
0x3d: {  	_ =	shalt  }
0x3e: {  	_ =	shalt  }
0x3f: {  	_ =	shalt  }
0x40: {  	_ =	shalt  }
0x41: {  	_ =	shalt  }
0x42: {  	_ =	shalt  }
0x43: {  	_ =	shalt  }
0x44: {  	_ =	shalt  }
0x45: {  	_ =	shalt  }
0x46: {  	_ =	shalt  }
0x47: {  	_ =	shalt  }
0x48: {  	_ =	shalt  }
0x49: {  	_ =	shalt  }
0x4a: {  	_ =	shalt  }
0x4b: {  	_ =	shalt  }
0x4c: {  	_ =	shalt  }
0x4d: {  	_ =	shalt  }
0x4e: {  	_ =	shalt  }
0x4f: {  	_ =	shalt  }
0x50: {  	_ =	shalt  }
0x51: {  	_ =	shalt  }
0x52: {  	_ =	shalt  }
0x53: {  	_ =	shalt  }
0x54: {  	_ =	shalt  }
0x55: {  	_ =	shalt  }
0x56: {  	_ =	shalt  }
0x57: {  	_ =	shalt  }
0x58: {  	_ =	shalt  }
0x59: {  	_ =	shalt  }
0x5a: {  	_ =	shalt  }
0x5b: {  	_ =	shalt  }
0x5c: {  	_ =	shalt  }
0x5d: {  	_ =	shalt  }
0x5e: {  	_ =	shalt  }
0x5f: {  	_ =	shalt  }
0x60: {  	_ =	shalt  }
0x61: {  	_ =	shalt  }
0x62: {  	_ =	shalt  }
0x63: {  	_ =	shalt  }
0x64: {  	_ =	shalt  }
0x65: {  	_ =	shalt  }
0x66: {  	_ =	shalt  }
0x67: {  	_ =	shalt  }
0x68: {  	_ =	shalt  }
0x69: {  	_ =	shalt  }
0x6a: {  	_ =	shalt  }
0x6b: {  	_ =	shalt  }
0x6c: {  	_ =	shalt  }
0x6d: {  	_ =	shalt  }
0x6e: {  	_ =	shalt  }
0x6f: {  	_ =	shalt  }
0x70: {  	_ =	shalt  }
0x71: {  	_ =	shalt  }
0x72: {  	_ =	shalt  }
0x73: {  	_ =	shalt  }
0x74: {  	_ =	shalt  }
0x75: {  	_ =	shalt  }
0x76: {  	_ =	shalt  }
0x77: {  	_ =	shalt  }
0x78: {  	_ =	shalt  }
0x79: {  	_ =	shalt  }
0x7a: {  	_ =	shalt  }
0x7b: {  	_ =	shalt  }
0x7c: {  	_ =	shalt  }
0x7d: {  	_ =	shalt  }
0x7e: {  	_ =	shalt  }
0x7f: {  	_ =	shalt  }
0x80: {  	_ =	shalt  }
0x81: {  	_ =	shalt  }
0x82: {  	_ =	shalt  }
0x83: {  	_ =	shalt  }
0x84: {  	_ =	shalt  }
0x85: {  	_ =	shalt  }
0x86: {  	_ =	shalt  }
0x87: {  	_ =	shalt  }
.Lfunc_end0:
.L_simem_size_0:
called_computation_lowered:
.L_overlay_start_0:
0x88: {  	s2 =	sld [smem:$0x3FD9]  }
0x89: {  	s3 =	sld [smem:$0x3FFE];
	_ =	sdelay $0x1  }
0x8a: {  	s1 =	srdreg.scid  }
0x8b: {  	s0 =	sand.u32 $0x1, s1  }
0x8c: {  	s17 =	sshll.u32 s0, $0xA;
	s2 =	sadd.s32 s3, s2  }
0x8d: {  	s2 =	sadd.s32 s2, s17  }
0x8e: {  	[smem:$0x3FC6] =	sst s2  }
0x8f: {  	_ = 	snop  }
0x90: {  	s2 =	sld [smem:$0x3FC9]  }
0x91: {  	s18 =	sld [smem:$0x3FC8];
	(tm) =	ssettm $0x1  }
0x92: {  	s4 =	sld [smem:$0x3FFB];
	_ =	sdelay $0x3  }
0x93: {  	_ =	strace s4  }
0x94: {  	s4 =	sld [smem:$0x3FFC];
	_ =	sdelay $0x3  }
0x95: {  	_ =	strace s4  }
0x96: {  	s4 =	sld [smem:$0x3FFD];
	_ =	sdelay $0x3  }
0x97: {  	_ =	strace s4  }
0x98: {  	_ =	strace $0x8FFFFFFF  }
0x99: {  	s19 =	sld [smem:$0x3FDB];
	_ =	sdelay $0x1  }
0x9a: {  	s5 =	simm.s32 $_scs_section_size  }
0x9b: {  	s6 =	simm.s32 $_size__tile_overlayer_lowered;
	s7 =	simm.s32 $_tile_overlayer_lowered  }
0x9c: {  	s22 =	simm.s32 $0x1BFF;
	s21 =	sshll.u32 s7, $0x1;
	s4 =	sadd.s32 s5, s19  }
0x9d: {  	s8 =	simm.s32 $0x0;
	s20 =	sshll.u32 s6, $0x1;
	s6 =	sadd.s32 s21, s4  }
0x9e: {  	[timem:s8], [sflag:s22] =	dma.local [hbm:s6], s20  }
0x9f: {  	_ =	swait.ge [sflag:s22], s20  }
0xa0: {  	s5 =	ssub.s32 $0x0, s20;
	[sflag:s22] =	ssyncset.done $0x0  }
0xa1: {  	[sflag:s22] =	ssyncadd.s32 s5;
	_ =	sdelay $0x1  }
0xa2: {  	s23 =	simm.s32 $0x1B8B  }
0xa3: {  	_ =	swait.ge [sflag:s23], $0x1  }
0xa4: {  	[sflag:s23] =	ssyncset.done $0x0  }
0xa5: {  	s25 =	simm.s32 $0x1B8E;
	s24 =	sld [smem:$0x3FFE];
	[sflag:s23] =	ssyncadd.s32 $0xFFFFFFFF  }
0xa6: {  	s26 =	simm.s32 $execute0_lowered;
	[smem:$0x3FD2] =	sst s25  }
0xa7: {  	s6 =	sshll.u32 s26, $0x1;
	_ =	strace $0x80000046;
	[dreg:$0x1] =	wrdreg $0xFFFFFFFF  }
0xa8: {  	s28 =	simm.s32 $_size_execute0_lowered;
	s4 =	sadd.s32 s4, s6;
	[dreg:$0x0] =	wrdreg $0x0  }
0xa9: {  	s6 =	sshll.u32 s28, $0x1;
	[dreg:$0x2] =	wrdreg s4  }
0xaa: {  	[dreg:$0x3] =	wrdreg s6  }
0xab: {  	[dreg:$0x4] =	wrdreg $0xC0  }
0xac: {  	_ =	task [dreg:s8], $0x5FFFF  }
0xad: {  	[dreg:$0x1] =	wrdreg $0xFFFFFFFF  }
0xae: {  	[dreg:$0x0] =	wrdreg $0x60  }
0xaf: {  	[dreg:$0x2] =	wrdreg s2  }
0xb0: {  	[dreg:$0x3] =	wrdreg s18  }
0xb1: {  	[dreg:$0x4] =	wrdreg s24  }
0xb2: {  	[dreg:$0x5] =	wrdreg $0x9  }
0xb3: {  	_ =	task.clear_ibuf [dreg:s8], $0x6FFFF;
	_ =	strace $0x90000046  }
0xb4: {  	s29 =	simm.s32 $0x9;
	_ =	strace $0x80000048  }
0xb5: {  	_ =	swait.ge [sflag:s29], $0x1  }
0xb6: {  	[sflag:s29] =	ssyncadd.s32 $0xFFFFFFFF  }
0xb7: {  	_ =	strace $0x90000048  }
0xb8: {  	_ =	sfence  }
0xb9: {  	s30 =	sld [smem:$0x0];
	_ =	sdelay $0x2  }
0xba: {  	s31 =	sshll.u32 s1, $0xD;
	s1 =	sshrl.u32 s1, $0x2  }
0xbb: {  	s3 =	sand.u32 $0x4000, s31;
	s1 =	sadd.s32 s1, s30  }
0xbc: {  	s0 =	sor.u32 s3, s0;
	s1 =	sshll.u32 s1, $0x11  }
0xbd: {  	s0 =	sor.u32 s1, s0  }
0xbe: {  	s0 =	sadd.s32 $0x8F2B, s0  }
0xbf: {  	[sflag:s0] =	ssyncadd.remote.s32 $0x1  }
0xc0: {  	_ =	sfence.sel $0xFFFF  }
0xc1: {  	[dreg:$0x0] =	wrdreg $0xFFFFFFFF;
	(pc) =	sbr.abs _section_cstart, $3  }
0xc2: {  	[dreg:$0x1] =	wrdreg $0xFFFFFFFF  }
0xc3: {  	_ =	task.clear_ibuf [dreg:s8], $0x2FFFF;
	_ =	strace $0x9FFFFFFF  }
0xc4: {  	(tm) =	ssettm $0x7FFFFFFF  }
0xc5: {  	_ =	shalt  }
tec
execute0_lowered:
.L_overlay_start_1:
0x0: {  	(tag) =	ssettag $0x1  }
0x1: {  	s3 =	rddreg [dreg:$0x0]  }
0x2: {  	s4 =	rddreg [dreg:$0x1]  }
0x3: {  	s5 =	rddreg [dreg:$0x2]  }
0x4: {  	s0 =	rddreg [dreg:$0x3];
	s6 =	srdreg.scid  }
0x5: {  	s2 =	simm.s32 $0x0;
	s1 =	stileid.u32;
	s13 =	simm.s32 $0x2000  }
0x6: {  	s14 =	simm.s32 $0x4000;
	s15 =	simm.s32 $0x6000;
	s16 =	simm.s32 $0x1  }
0x7: {  	s17 =	simm.s32 $0x2;
	s18 =	simm.s32 $0x3;
	s19 =	simm.s32 $0x5  }
0x8: {  	s20 =	simm.s32 $0x4;
	s21 =	simm.s32 $0x6;
	s22 =	simm.s32 $0x7  }
0x9: {  	s23 =	simm.s32 $0x0;
	s6 =	sand.u32 $0x1, s6;
	[smem:$0x7FF] =	sst s2  }
0xa: {  	s7 =	sshll.u32 s1, $0xB;
	s8 =	sshll.u32 s6, $0xA;
	s6 =	ssub.s32 $0x2, s6  }
0xb: {  	_ =	strace $0x80000047;
	s7 =	sor.u32 s8, s7;
	s31 =	sshrl.u32 s6, $0x1  }
0xc: {  	s11 =	sadd.s32 s7, s5;
	s3 =	sadd.s32 s3, s7;
	s12 =	ssub.s32 s6, s31  }
0xd: {  	s4 =	sadd.s32 s4, s7;
	s5 =	sadd.s32 $0x40000, s3;
	s6 =	sadd.s32 $0x80000, s3  }
0xe: {  	s7 =	sadd.s32 $0x600, s11;
	s8 =	sadd.s32 $0x8600, s11;
	s9 =	sadd.s32 $0xC0000, s3  }
0xf: {  	s10 =	sadd.s32 $0x10600, s11;
	s11 =	sadd.s32 $0x18600, s11;
	s12 =	smax.u32 s12, $0x1  }
.LBB2_1:
0x10: {  	[tilespmem:s2], [sflag:$0x1] =	stream.linear.gather [hbm4b:s4+s2], $0x2000, $0x38;
	[tilespmem:$0x8000] =	vst v63  }
0x11: {  	_ = 	snop  }
0x12: {  	[tilespmem:s13], [sflag:$0x2] =	stream.linear.gather [hbm4b:s3+s2], $0x2000, $0x38;
	[tilespmem:$0x8000] =	vst v63  }
0x13: {  	_ = 	snop  }
0x14: {  	[tilespmem:s14], [sflag:$0x3] =	stream.linear.gather [hbm4b:s5+s2], $0x2000, $0x38;
	[tilespmem:$0x8000] =	vst v63  }
0x15: {  	_ = 	snop  }
0x16: {  	[tilespmem:s15], [sflag:$0x4] =	stream.linear.gather [hbm4b:s6+s2], $0x2000, $0x38;
	[tilespmem:$0x8000] =	vst v63  }
0x17: {  	_ =	swait.ge [sflag:s16], $0x2000  }
0x18: {  	[sflag:s16] =	ssyncset.done $0x0  }
0x19: {  	[sflag:s16] =	ssyncadd.s32 $0xFFFFE000  }
0x1a: {  	s24 =	sand.u32 $0x1C00, s2;
	_ =	swait.ge [sflag:s17], $0x2000  }
0x1b: {  	s25 =	sor.u32 s24, s2;
	[sflag:s17] =	ssyncset.done $0x0  }
0x1c: {  	s25 =	sor.u32 $0x70, s25;
	[sflag:s17] =	ssyncadd.s32 $0xFFFFE000  }
0x1d: {  	s26 =	sand.u32 $0x380, s2;
	v0 =	vld [tilespmem:s25+$0x2000]  }
0x1e: {  	s24 =	sor.u32 s26, s24;
	v1 =	vld [tilespmem:s25+$0x0]  }
0x1f: {  	v2 =	vld [tilespmem:s24+$0x2000]  }
0x20: {  	v3 =	vld [tilespmem:s24+$0x0]  }
0x21: {  	v5 =	vld [tilespmem:s24+$0x2010]  }
0x22: {  	v6 =	vld [tilespmem:s24+$0x10]  }
0x23: {  	v7 =	vld [tilespmem:s24+$0x2020]  }
0x24: {  	v8 =	vld [tilespmem:s24+$0x20]  }
0x25: {  	v4 =	vld [tilespmem:s24+$0x30];
	v1 =	vadd.f32 v1, v0  }
0x26: {  	v0 =	vld [tilespmem:s24+$0x2030];
	v2 =	vadd.f32 v3, v2  }
0x27: {  	v3 =	vadd.f32 v6, v5;
	[tilespmem:s25+$0x2000] =	vst v1;
	v1 =	vld [tilespmem:s24+$0x2040]  }
0x28: {  	[tilespmem:s24+$0x2000] =	vst v2;
	v2 =	vld [tilespmem:s24+$0x40]  }
0x29: {  	s28 =	simm.s32 $0x0;
	s26 =	simm.s32 $0x400;
	v5 =	vadd.f32 v8, v7;
	s25 =	simm.s32 $0x0;
	[tilespmem:s24+$0x2010] =	vst v3;
	v3 =	vld [tilespmem:s24+$0x2050]  }
.LBB2_2:
0x2a: {  	s29 =	sand.u32 $0x1C00, s26;
	v6 =	vld [tilespmem:s24+$0x50];
	s28 =	sadd.s32 $0x10, s28  }
0x2b: {  	s25 =	sadd.s32 $0x80, s25;
	s30 =	sand.u32 $0x380, s28;
	s31 =	sor.u32 s29, s28;
	[tilespmem:s24+$0x2020] =	vst v5;
	v0 =	vadd.f32 v4, v0;
	v4 =	vld [tilespmem:s24+$0x2060]  }
0x2c: {  	p0 =	slt.u32 s25, $0x1F80;
	s29 =	sor.u32 s30, s29;
	s30 =	sor.u32 $0x70, s31;
	v5 =	vld [tilespmem:s24+$0x60]  }
0x2d: {  	v7 =	vld [tilespmem:s30+$0x2000];
	[tilespmem:s24+$0x2030] =	vst v0;
	v0 =	vadd.f32 v2, v1  }
0x2e: {  	v1 =	vld [tilespmem:s30+$0x0]  }
0x2f: {  	v2 =	vld [tilespmem:s29+$0x2000];
	[tilespmem:s24+$0x2040] =	vst v0;
	v0 =	vadd.f32 v6, v3  }
0x30: {  	v3 =	vld [tilespmem:s29+$0x0]  }
0x31: {  	v6 =	vld [tilespmem:s29+$0x2010];
	[tilespmem:s24+$0x2050] =	vst v0;
	v0 =	vadd.f32 v5, v4  }
0x32: {  	v5 =	vld [tilespmem:s29+$0x10]  }
0x33: {  	v8 =	vld [tilespmem:s29+$0x2020];
	v1 =	vadd.f32 v1, v7;
	[tilespmem:s24+$0x2060] =	vst v0;
	s24 =	smov.u32 s29  }
0x34: {  	v7 =	vld [tilespmem:s24+$0x20]  }
.Ltmp0:
0x35: {  	v2 =	vadd.f32 v3, v2;
	v0 =	vld [tilespmem:s24+$0x2030];
	[tilespmem:s30+$0x2000] =	vst v1;
	(pc) =	sbr.rel @p0 .LBB2_2-.Ltmp0, $4  }
0x36: {  	v4 =	vld [tilespmem:s24+$0x30]  }
0x37: {  	[tilespmem:s24+$0x2000] =	vst v2;
	v3 =	vadd.f32 v5, v6;
	v1 =	vld [tilespmem:s24+$0x2040]  }
0x38: {  	v2 =	vld [tilespmem:s24+$0x40]  }
0x39: {  	s26 =	sadd.s32 $0x400, s26;
	[tilespmem:s24+$0x2010] =	vst v3;
	v5 =	vadd.f32 v7, v8;
	v3 =	vld [tilespmem:s24+$0x2050]  }
0x3a: {  	v6 =	vld [tilespmem:s24+$0x50]  }
0x3b: {  	v7 =	vld [tilespmem:s24+$0x2060]  }
0x3c: {  	v8 =	vld [tilespmem:s24+$0x60];
	_ =	sdelay $0x1  }
0x3d: {  	v0 =	vadd.f32 v4, v0  }
0x3e: {  	[tilespmem:s24+$0x2020] =	vst v5;
	v1 =	vadd.f32 v2, v1  }
0x3f: {  	[tilespmem:s24+$0x2030] =	vst v0;
	v0 =	vadd.f32 v6, v3  }
0x40: {  	[tilespmem:s24+$0x2040] =	vst v1;
	v1 =	vadd.f32 v8, v7  }
0x41: {  	[tilespmem:s24+$0x2050] =	vst v0  }
0x42: {  	s25 =	simm.s32 $0x0;
	[tilespmem:s24+$0x2060] =	vst v1  }
0x43: {  	[hbm4b:s7+s25] =	stream.linear.scatter [tilespmem:s13], [sflag:$0x5], $0x2000, $0x38;
	[tilespmem:$0x8000] =	vst v63  }
0x44: {  	s31 =	sand.u32 $0x1C00, s25;
	_ =	swait.ge [sflag:s18], $0x2000  }
0x45: {  	s26 =	sor.u32 s31, s25;
	[sflag:s18] =	ssyncset.done $0x0  }
0x46: {  	s26 =	sor.u32 $0x70, s26;
	[sflag:s18] =	ssyncadd.s32 $0xFFFFE000  }
0x47: {  	s28 =	sand.u32 $0x380, s25;
	v0 =	vld [tilespmem:s26+$0x4000]  }
0x48: {  	s24 =	sor.u32 s28, s31;
	v1 =	vld [tilespmem:s26+$0x0]  }
0x49: {  	v2 =	vld [tilespmem:s24+$0x4000]  }
0x4a: {  	v3 =	vld [tilespmem:s24+$0x0]  }
0x4b: {  	v5 =	vld [tilespmem:s24+$0x4010]  }
0x4c: {  	v6 =	vld [tilespmem:s24+$0x10]  }
0x4d: {  	v7 =	vld [tilespmem:s24+$0x4020]  }
0x4e: {  	v63 =	vld [tilespmem:s24+$0x20]  }
0x4f: {  	v4 =	vld [tilespmem:s24+$0x30];
	v1 =	vadd.f32 v1, v0  }
0x50: {  	v0 =	vld [tilespmem:s24+$0x4030];
	v2 =	vadd.f32 v3, v2  }
0x51: {  	v3 =	vadd.f32 v6, v5;
	[tilespmem:s26+$0x4000] =	vst v1;
	v1 =	vld [tilespmem:s24+$0x4040]  }
0x52: {  	[tilespmem:s24+$0x4000] =	vst v2;
	v2 =	vld [tilespmem:s24+$0x40]  }
0x53: {  	s28 =	simm.s32 $0x400;
	v5 =	vadd.f32 v63, v7;
	s26 =	simm.s32 $0x0;
	[tilespmem:s24+$0x4010] =	vst v3;
	v3 =	vld [tilespmem:s24+$0x4050]  }
.LBB2_4:
0x54: {  	s29 =	sand.u32 $0x1C00, s28;
	v6 =	vld [tilespmem:s24+$0x50];
	s25 =	sadd.s32 $0x10, s25  }
0x55: {  	s26 =	sadd.s32 $0x80, s26;
	s30 =	sand.u32 $0x380, s25;
	s31 =	sor.u32 s29, s25;
	[tilespmem:s24+$0x4020] =	vst v5;
	v0 =	vadd.f32 v4, v0;
	v4 =	vld [tilespmem:s24+$0x4060]  }
0x56: {  	p0 =	slt.u32 s26, $0x1F80;
	s29 =	sor.u32 s30, s29;
	s30 =	sor.u32 $0x70, s31;
	v5 =	vld [tilespmem:s24+$0x60]  }
0x57: {  	v7 =	vld [tilespmem:s30+$0x4000];
	[tilespmem:s24+$0x4030] =	vst v0;
	v0 =	vadd.f32 v2, v1  }
0x58: {  	v1 =	vld [tilespmem:s30+$0x0]  }
0x59: {  	v2 =	vld [tilespmem:s29+$0x4000];
	[tilespmem:s24+$0x4040] =	vst v0;
	v0 =	vadd.f32 v6, v3  }
0x5a: {  	v3 =	vld [tilespmem:s29+$0x0]  }
0x5b: {  	v6 =	vld [tilespmem:s29+$0x4010];
	[tilespmem:s24+$0x4050] =	vst v0;
	v0 =	vadd.f32 v5, v4  }
0x5c: {  	v5 =	vld [tilespmem:s29+$0x10]  }
0x5d: {  	v8 =	vld [tilespmem:s29+$0x4020];
	v1 =	vadd.f32 v1, v7;
	[tilespmem:s24+$0x4060] =	vst v0;
	s24 =	smov.u32 s29  }
0x5e: {  	v7 =	vld [tilespmem:s24+$0x20]  }
.Ltmp1:
0x5f: {  	v2 =	vadd.f32 v3, v2;
	v0 =	vld [tilespmem:s24+$0x4030];
	[tilespmem:s30+$0x4000] =	vst v1;
	(pc) =	sbr.rel @p0 .LBB2_4-.Ltmp1, $4  }
0x60: {  	v4 =	vld [tilespmem:s24+$0x30]  }
0x61: {  	[tilespmem:s24+$0x4000] =	vst v2;
	v3 =	vadd.f32 v5, v6;
	v1 =	vld [tilespmem:s24+$0x4040]  }
0x62: {  	v2 =	vld [tilespmem:s24+$0x40]  }
0x63: {  	s28 =	sadd.s32 $0x400, s28;
	[tilespmem:s24+$0x4010] =	vst v3;
	v5 =	vadd.f32 v7, v8;
	v3 =	vld [tilespmem:s24+$0x4050]  }
0x64: {  	v6 =	vld [tilespmem:s24+$0x50]  }
0x65: {  	v7 =	vld [tilespmem:s24+$0x4060]  }
0x66: {  	v8 =	vld [tilespmem:s24+$0x60];
	_ =	sdelay $0x1  }
0x67: {  	v0 =	vadd.f32 v4, v0  }
0x68: {  	[tilespmem:s24+$0x4020] =	vst v5;
	v1 =	vadd.f32 v2, v1  }
0x69: {  	[tilespmem:s24+$0x4030] =	vst v0;
	v0 =	vadd.f32 v6, v3  }
0x6a: {  	[tilespmem:s24+$0x4040] =	vst v1;
	v1 =	vadd.f32 v8, v7  }
0x6b: {  	[tilespmem:s24+$0x4050] =	vst v0  }
0x6c: {  	[tilespmem:s24+$0x4060] =	vst v1;
	s24 =	simm.s32 $0x0  }
0x6d: {  	[hbm4b:s8+s24] =	stream.linear.scatter [tilespmem:s14], [sflag:$0x6], $0x2000, $0x38;
	[tilespmem:$0x8000] =	vst v63  }
0x6e: {  	_ =	swait.ge [sflag:s19], $0x2000  }
0x6f: {  	[sflag:s19] =	ssyncset.done $0x0  }
0x70: {  	[sflag:s19] =	ssyncadd.s32 $0xFFFFE000  }
0x71: {  	[tilespmem:s13], [sflag:$0x2] =	stream.linear.gather [hbm4b:s9+s24], $0x2000, $0x38;
	[tilespmem:$0x8000] =	vst v63  }
0x72: {  	s25 =	sand.u32 $0x1C00, s24;
	_ =	swait.ge [sflag:s20], $0x2000  }
0x73: {  	s26 =	sor.u32 s25, s24;
	[sflag:s20] =	ssyncset.done $0x0  }
0x74: {  	s26 =	sor.u32 $0x70, s26;
	[sflag:s20] =	ssyncadd.s32 $0xFFFFE000  }
0x75: {  	s28 =	sand.u32 $0x380, s24;
	v0 =	vld [tilespmem:s26+$0x6000]  }
0x76: {  	s25 =	sor.u32 s28, s25;
	v1 =	vld [tilespmem:s26+$0x0]  }
0x77: {  	v2 =	vld [tilespmem:s25+$0x6000]  }
0x78: {  	v3 =	vld [tilespmem:s25+$0x0]  }
0x79: {  	v5 =	vld [tilespmem:s25+$0x6010]  }
0x7a: {  	v6 =	vld [tilespmem:s25+$0x10]  }
0x7b: {  	v7 =	vld [tilespmem:s25+$0x6020]  }
0x7c: {  	v63 =	vld [tilespmem:s25+$0x20]  }
0x7d: {  	v4 =	vld [tilespmem:s25+$0x30];
	v1 =	vadd.f32 v1, v0  }
0x7e: {  	v0 =	vld [tilespmem:s25+$0x6030];
	v2 =	vadd.f32 v3, v2  }
0x7f: {  	v3 =	vadd.f32 v6, v5;
	[tilespmem:s26+$0x6000] =	vst v1;
	v1 =	vld [tilespmem:s25+$0x6040]  }
0x80: {  	[tilespmem:s25+$0x6000] =	vst v2;
	v2 =	vld [tilespmem:s25+$0x40]  }
0x81: {  	s28 =	simm.s32 $0x400;
	v5 =	vadd.f32 v63, v7;
	s26 =	simm.s32 $0x0;
	[tilespmem:s25+$0x6010] =	vst v3;
	v3 =	vld [tilespmem:s25+$0x6050]  }
.LBB2_6:
0x82: {  	s29 =	sand.u32 $0x1C00, s28;
	v6 =	vld [tilespmem:s25+$0x50];
	s24 =	sadd.s32 $0x10, s24  }
0x83: {  	s26 =	sadd.s32 $0x80, s26;
	s30 =	sand.u32 $0x380, s24;
	s31 =	sor.u32 s29, s24;
	[tilespmem:s25+$0x6020] =	vst v5;
	v0 =	vadd.f32 v4, v0;
	v4 =	vld [tilespmem:s25+$0x6060]  }
0x84: {  	p0 =	slt.u32 s26, $0x1F80;
	s29 =	sor.u32 s30, s29;
	s30 =	sor.u32 $0x70, s31;
	v5 =	vld [tilespmem:s25+$0x60]  }
0x85: {  	v7 =	vld [tilespmem:s30+$0x6000];
	[tilespmem:s25+$0x6030] =	vst v0;
	v0 =	vadd.f32 v2, v1  }
0x86: {  	v1 =	vld [tilespmem:s30+$0x0]  }
0x87: {  	v2 =	vld [tilespmem:s29+$0x6000];
	[tilespmem:s25+$0x6040] =	vst v0;
	v0 =	vadd.f32 v6, v3  }
0x88: {  	v3 =	vld [tilespmem:s29+$0x0]  }
0x89: {  	v6 =	vld [tilespmem:s29+$0x6010];
	[tilespmem:s25+$0x6050] =	vst v0;
	v0 =	vadd.f32 v5, v4  }
0x8a: {  	v5 =	vld [tilespmem:s29+$0x10]  }
0x8b: {  	v8 =	vld [tilespmem:s29+$0x6020];
	v1 =	vadd.f32 v1, v7;
	[tilespmem:s25+$0x6060] =	vst v0;
	s25 =	smov.u32 s29  }
0x8c: {  	v7 =	vld [tilespmem:s25+$0x20]  }
.Ltmp2:
0x8d: {  	v2 =	vadd.f32 v3, v2;
	v0 =	vld [tilespmem:s25+$0x6030];
	[tilespmem:s30+$0x6000] =	vst v1;
	(pc) =	sbr.rel @p0 .LBB2_6-.Ltmp2, $4  }
0x8e: {  	v4 =	vld [tilespmem:s25+$0x30]  }
0x8f: {  	[tilespmem:s25+$0x6000] =	vst v2;
	v3 =	vadd.f32 v5, v6;
	v1 =	vld [tilespmem:s25+$0x6040]  }
0x90: {  	v2 =	vld [tilespmem:s25+$0x40]  }
0x91: {  	s28 =	sadd.s32 $0x400, s28;
	[tilespmem:s25+$0x6010] =	vst v3;
	v5 =	vadd.f32 v7, v8;
	v3 =	vld [tilespmem:s25+$0x6050]  }
0x92: {  	v6 =	vld [tilespmem:s25+$0x50]  }
0x93: {  	v7 =	vld [tilespmem:s25+$0x6060]  }
0x94: {  	v8 =	vld [tilespmem:s25+$0x60];
	_ =	sdelay $0x1  }
0x95: {  	v0 =	vadd.f32 v4, v0  }
0x96: {  	[tilespmem:s25+$0x6020] =	vst v5;
	v1 =	vadd.f32 v2, v1  }
0x97: {  	[tilespmem:s25+$0x6030] =	vst v0;
	v0 =	vadd.f32 v6, v3  }
0x98: {  	[tilespmem:s25+$0x6040] =	vst v1;
	v1 =	vadd.f32 v8, v7  }
0x99: {  	[tilespmem:s25+$0x6050] =	vst v0  }
0x9a: {  	[tilespmem:s25+$0x6060] =	vst v1;
	s25 =	simm.s32 $0x0  }
0x9b: {  	[hbm4b:s10+s25] =	stream.linear.scatter [tilespmem:s15], [sflag:$0x7], $0x2000, $0x38;
	[tilespmem:$0x8000] =	vst v63  }
0x9c: {  	s24 =	sand.u32 $0x1C00, s25;
	_ =	swait.ge [sflag:s17], $0x2000  }
0x9d: {  	s26 =	sor.u32 s24, s25;
	[sflag:s17] =	ssyncset.done $0x0  }
0x9e: {  	s26 =	sor.u32 $0x70, s26;
	[sflag:s17] =	ssyncadd.s32 $0xFFFFE000  }
0x9f: {  	s28 =	sand.u32 $0x380, s25;
	v0 =	vld [tilespmem:s26+$0x2000]  }
0xa0: {  	s24 =	sor.u32 s28, s24;
	v1 =	vld [tilespmem:s26+$0x0]  }
0xa1: {  	v2 =	vld [tilespmem:s24+$0x2000]  }
0xa2: {  	v3 =	vld [tilespmem:s24+$0x0]  }
0xa3: {  	v5 =	vld [tilespmem:s24+$0x2010]  }
0xa4: {  	v6 =	vld [tilespmem:s24+$0x10]  }
0xa5: {  	v7 =	vld [tilespmem:s24+$0x2020]  }
0xa6: {  	v63 =	vld [tilespmem:s24+$0x20]  }
0xa7: {  	v4 =	vld [tilespmem:s24+$0x30];
	v1 =	vadd.f32 v1, v0  }
0xa8: {  	v0 =	vld [tilespmem:s24+$0x2030];
	v2 =	vadd.f32 v3, v2  }
0xa9: {  	v3 =	vadd.f32 v6, v5;
	[tilespmem:s26+$0x2000] =	vst v1;
	v1 =	vld [tilespmem:s24+$0x2040]  }
0xaa: {  	[tilespmem:s24+$0x2000] =	vst v2;
	v2 =	vld [tilespmem:s24+$0x40]  }
0xab: {  	s28 =	simm.s32 $0x400;
	v5 =	vadd.f32 v63, v7;
	s26 =	simm.s32 $0x0;
	[tilespmem:s24+$0x2010] =	vst v3;
	v3 =	vld [tilespmem:s24+$0x2050]  }
.LBB2_8:
0xac: {  	s29 =	sand.u32 $0x1C00, s28;
	v6 =	vld [tilespmem:s24+$0x50];
	s25 =	sadd.s32 $0x10, s25  }
0xad: {  	s26 =	sadd.s32 $0x80, s26;
	s30 =	sand.u32 $0x380, s25;
	s31 =	sor.u32 s29, s25;
	[tilespmem:s24+$0x2020] =	vst v5;
	v0 =	vadd.f32 v4, v0;
	v4 =	vld [tilespmem:s24+$0x2060]  }
0xae: {  	p0 =	slt.u32 s26, $0x1F80;
	s29 =	sor.u32 s30, s29;
	s30 =	sor.u32 $0x70, s31;
	v5 =	vld [tilespmem:s24+$0x60]  }
0xaf: {  	v7 =	vld [tilespmem:s30+$0x2000];
	[tilespmem:s24+$0x2030] =	vst v0;
	v0 =	vadd.f32 v2, v1  }
0xb0: {  	v1 =	vld [tilespmem:s30+$0x0]  }
0xb1: {  	v2 =	vld [tilespmem:s29+$0x2000];
	[tilespmem:s24+$0x2040] =	vst v0;
	v0 =	vadd.f32 v6, v3  }
0xb2: {  	v3 =	vld [tilespmem:s29+$0x0]  }
0xb3: {  	v6 =	vld [tilespmem:s29+$0x2010];
	[tilespmem:s24+$0x2050] =	vst v0;
	v0 =	vadd.f32 v5, v4  }
0xb4: {  	v5 =	vld [tilespmem:s29+$0x10]  }
0xb5: {  	v8 =	vld [tilespmem:s29+$0x2020];
	v1 =	vadd.f32 v1, v7;
	[tilespmem:s24+$0x2060] =	vst v0;
	s24 =	smov.u32 s29  }
0xb6: {  	v7 =	vld [tilespmem:s24+$0x20]  }
.Ltmp3:
0xb7: {  	v2 =	vadd.f32 v3, v2;
	v0 =	vld [tilespmem:s24+$0x2030];
	[tilespmem:s30+$0x2000] =	vst v1;
	(pc) =	sbr.rel @p0 .LBB2_8-.Ltmp3, $4  }
0xb8: {  	v4 =	vld [tilespmem:s24+$0x30]  }
0xb9: {  	[tilespmem:s24+$0x2000] =	vst v2;
	v3 =	vadd.f32 v5, v6;
	v1 =	vld [tilespmem:s24+$0x2040]  }
0xba: {  	v2 =	vld [tilespmem:s24+$0x40]  }
0xbb: {  	s28 =	sadd.s32 $0x400, s28;
	[tilespmem:s24+$0x2010] =	vst v3;
	v5 =	vadd.f32 v7, v8;
	v3 =	vld [tilespmem:s24+$0x2050]  }
0xbc: {  	v6 =	vld [tilespmem:s24+$0x50]  }
0xbd: {  	v7 =	vld [tilespmem:s24+$0x2060]  }
0xbe: {  	v8 =	vld [tilespmem:s24+$0x60];
	_ =	sdelay $0x1  }
0xbf: {  	v0 =	vadd.f32 v4, v0  }
0xc0: {  	[tilespmem:s24+$0x2020] =	vst v5;
	v1 =	vadd.f32 v2, v1  }
0xc1: {  	[tilespmem:s24+$0x2030] =	vst v0;
	v62 =	vadd.f32 v6, v3  }
0xc2: {  	[tilespmem:s24+$0x2040] =	vst v1;
	v63 =	vadd.f32 v8, v7  }
0xc3: {  	[tilespmem:s24+$0x2050] =	vst v62  }
0xc4: {  	[tilespmem:s24+$0x2060] =	vst v63  }
0xc5: {  	[hbm4b:s11+s2] =	stream.linear.scatter [tilespmem:s13], [sflag:$0x5], $0x2000, $0x38;
	[tilespmem:$0x8000] =	vst v63  }
0xc6: {  	_ =	swait.ge [sflag:s19], $0x2000  }
0xc7: {  	[sflag:s19] =	ssyncset.done $0x0  }
0xc8: {  	s23 =	sadd.s32 $0x1, s23;
	[sflag:s19] =	ssyncadd.s32 $0xFFFFE000  }
0xc9: {  	p0 =	sne.s32 s23, s12;
	_ =	swait.ge [sflag:s21], $0x2000  }
.Ltmp4:
0xca: {  	[sflag:s21] =	ssyncset.done $0x0;
	(pc) =	sbr.rel @p0 .LBB2_1-.Ltmp4, $4  }
0xcb: {  	[sflag:s21] =	ssyncadd.s32 $0xFFFFE000  }
0xcc: {  	_ =	swait.ge [sflag:s22], $0x2000  }
0xcd: {  	[sflag:s22] =	ssyncset.done $0x0  }
0xce: {  	[sflag:s22] =	ssyncadd.s32 $0xFFFFE000  }
0xcf: {  	_ =	sfence.sel $0x180000  }
0xd0: {  	[bflag:$0x0] =	sbarrier.arrive $0xFFFF  }
0xd1: {  	p0 =	sne.s32 s1, $0x0;
	_ =	strace $0x90000047  }
0xd2: {  	s0 =	sadd.s32 @!p0 $0x100000, s0;
	[bflag:$0x2] =	sbarrier.arrive $0xFFFF  }
0xd3: {  	[sflag:s0] =	ssyncadd.tile.s32 @!p0 $0x1;
	_ =	shalt  }
.Lfunc_end2:
_tile_overlayer_lowered:
.L_overlay_start_2:
0xd4: {  	(tag) =	ssettag $0x2  }
0xd5: {  	s0 =	rddreg [dreg:$0x0];
	s2 =	stileid.u32  }
0xd6: {  	s1 =	rddreg [dreg:$0x1];
	p0 =	sne.s32 s2, $0x0  }
0xd7: {  	s3 =	rddreg [dreg:$0x2];
	[bflag:$0x3] =	sbarrier.arrive $0xFFFF;
	s2 =	simm.s32 @!p0 $0x1C01  }
0xd8: {  	[timem:s3], [sflag:s2] =	dma.local @!p0 [hbm:s0], s1  }
0xd9: {  	s0 =	simm.s32 @!p0 $0x1  }
0xda: {  	_ =	swait.ge @!p0 [sflag:s0], s1  }
0xdb: {  	s1 =	ssub.s32 @!p0 $0x0, s1;
	[sflag:s0] =	ssyncset.done @!p0 $0x0  }
0xdc: {  	[sflag:s0] =	ssyncadd.s32 @!p0 s1  }
0xdd: {  	[bflag:$0x3] =	sbarrier.arrive $0xFFFF  }
0xde: {  	_ =	shalt  }

</sc_bundles>
